<compile_context>
chip_gen: v7x
topology: tpu7x:2x2x1
jax: 0.10.2.dev20260603
libtpu: 0.0.44.dev20260713+nightly
codegen_flags: <defaults>
</compile_context>

<pallas_src>
import functools

import jax
import jax.numpy as jnp
from jax import lax
from jax.experimental import pallas as pl
from jax.experimental.pallas import tpu as pltpu
from jax.experimental.pallas import tpu_sc as plsc

EMBED = 128
BATCH = 16384
NUM_TABLES = 6
NUM_CORES = 2
NUM_SUBCORES = 16
NUM_WORKERS = NUM_CORES * NUM_SUBCORES
ROWS_PER_WORKER = BATCH // NUM_WORKERS
CHUNK = 128
NUM_CHUNKS = ROWS_PER_WORKER // CHUNK


def _sc_body(ids_hbm, tables_hbm, out_hbm, idx_v, rows_v, tab_sh, gsem, wsem):
    wid = lax.axis_index("s") * NUM_CORES + lax.axis_index("c")
    base = wid * ROWS_PER_WORKER
    pltpu.async_copy(tables_hbm, tab_sh, gsem)
    pltpu.async_copy(ids_hbm.at[pl.ds(wid * NUM_CHUNKS, NUM_CHUNKS)], idx_v, gsem)
    pltpu.make_async_copy(tables_hbm, tab_sh, gsem).wait()
    pltpu.make_async_copy(
        ids_hbm.at[pl.ds(wid * NUM_CHUNKS, NUM_CHUNKS)], idx_v, gsem
    ).wait()
    for c in range(NUM_CHUNKS):
        pltpu.async_copy(
            tab_sh.at[idx_v.at[c]], rows_v.at[pl.ds(c * CHUNK, CHUNK)], gsem
        )
    for c in range(NUM_CHUNKS):
        pltpu.make_async_copy(
            tab_sh.at[idx_v.at[c]], rows_v.at[pl.ds(c * CHUNK, CHUNK)], gsem
        ).wait()
        pltpu.async_copy(
            rows_v.at[pl.ds(c * CHUNK, CHUNK)],
            out_hbm.at[pl.ds(base + c * CHUNK, CHUNK)],
            wsem,
        )
    for c in range(NUM_CHUNKS):
        pltpu.make_async_copy(
            rows_v.at[pl.ds(c * CHUNK, CHUNK)],
            out_hbm.at[pl.ds(base + c * CHUNK, CHUNK)],
            wsem,
        ).wait()


@jax.jit
def _run(ids2d, tables):
    mesh = plsc.VectorSubcoreMesh(core_axis_name="c", subcore_axis_name="s")
    return pl.kernel(
        _sc_body,
        mesh=mesh,
        out_type=jax.ShapeDtypeStruct((BATCH, EMBED), jnp.float32),
        scratch_types=[
            pltpu.VMEM((NUM_CHUNKS, CHUNK), jnp.int32),
            pltpu.VMEM((ROWS_PER_WORKER, EMBED), jnp.float32),
            pltpu.VMEM_SHARED((NUM_TABLES, EMBED), jnp.float32),
            pltpu.SemaphoreType.DMA,
            pltpu.SemaphoreType.DMA,
        ],
    )(ids2d, tables)


def kernel(dataset_ids, tables):
    ids2d = dataset_ids.astype(jnp.int32).reshape(BATCH // CHUNK, CHUNK)
    return _run(ids2d, tables)

# --- scband reference (transcript-rebuilt; emitter-appended) ---
"""Pipeline reference for scband-dataset-embedding-30897994727605 (READ-ONLY COPY).

The authoritative reference and input builder live on the scoring server;
editing this copy changes nothing except your own understanding.
"""

import jax, jax.numpy as jnp
import numpy as np

NUM_DATASETS = 6  # ["omat", "oc20", "oc22", "odac", "ani1x", "transition1x"]
EMBED_DIM = 128
BATCH = 16384

def setup_inputs(seed: int = 0) -> dict:
    key = jax.random.key(seed)
    k_idx, k_tab = jax.random.split(key)
    # dataset_ids: integer encoding of the string dataset_list passed to forward.
    # Names 'mptrj'/'salex' alias to 'omat' (id 0) in the original module; we
    # encode that aliasing at id-construction time, so ids are already canonical.
    dataset_ids = jax.random.randint(k_idx, (BATCH,), 0, NUM_DATASETS, dtype=jnp.int64)
    # Each nn.Embedding(1, embedding_size) contributes one row; stacking all
    # per-dataset tables gives a [NUM_DATASETS, EMBED_DIM] parameter matrix.
    tables = jax.random.normal(k_tab, (NUM_DATASETS, EMBED_DIM), dtype=jnp.float32)
    return {"dataset_ids": dataset_ids, "tables": tables}

def reference(dataset_ids, tables):
    # Original: [emb_dict[ds](0) for ds in dataset_list] then torch.stack(dim=0)
    # == gather row `id` from the stacked parameter matrix for each element.
    return jnp.take(tables, dataset_ids, axis=0)

if __name__ == "__main__":
    import jax
    _d = setup_inputs()
    print(jax.jit(kernel)(*tuple(_d.values())))

</pallas_src>

<mosaic_0001>
#map = affine_map<(d0, d1) -> (0, 0)>
module attributes {stable_mosaic.version = 14 : i64} {
  func.func @_sc_body(%arg0: i32, %arg1: i32, %arg2: memref<128x128xi32, #tpu.memory_space<hbm>>, %arg3: memref<6x128xf32, #tpu.memory_space<hbm>>, %arg4: memref<16384x128xf32, #tpu.memory_space<hbm>>, %arg5: memref<4x128xi32, #tpu.memory_space<vmem>>, %arg6: memref<512x128xf32, #tpu.memory_space<vmem>>, %arg7: memref<6x128xf32, #tpu.memory_space<vmem_shared>>, %arg8: memref<!tpu.dma_semaphore, #tpu.memory_space<semaphore_mem>>, %arg9: memref<!tpu.dma_semaphore, #tpu.memory_space<semaphore_mem>>) attributes {dimension_semantics = [#tpu.dimension_semantics<core_parallel>, #tpu.dimension_semantics<subcore_parallel>], iteration_bounds = array<i64: 2, 16>, scalar_prefetch = 0 : i64, scratch_operands = 5 : i64, tpu.core_type = #tpu.core_type<sc_vector_subcore>, window_params = [{transform_indices = #map}, {transform_indices = #map}, {transform_indices = #map}]} {
    %mul3A = arith.constant 2 : i32
    %mul3A_0 = arith.muli %arg1, %mul3A : i32
    %add3A = arith.addi %mul3A_0, %arg0 : i32
    %mul3A_1 = arith.constant 512 : i32
    %mul3A_2 = arith.muli %add3A, %mul3A_1 : i32
    tpu.enqueue_dma source(%arg3 : memref<6x128xf32, #tpu.memory_space<hbm>>) target(%arg7 : memref<6x128xf32, #tpu.memory_space<vmem_shared>>) target_semaphore(%arg8 : memref<!tpu.dma_semaphore, #tpu.memory_space<semaphore_mem>>)
    %mul3A_3 = arith.constant 4 : i32
    %mul3A_4 = arith.muli %add3A, %mul3A_3 : i32
    %dma_start3A = arith.constant 0 : i32
    %dma_start3A_5 = tpu.memref_slice %arg2[%mul3A_4, %dma_start3A] : memref<128x128xi32, #tpu.memory_space<hbm>> -> memref<4x128xi32, #tpu.memory_space<hbm>>
    %dma_start3A_6 = arith.constant 0 : i32
    %dma_start3A_7 = tpu.memref_slice %arg2[%mul3A_4, %dma_start3A_6] : memref<128x128xi32, #tpu.memory_space<hbm>> -> memref<4x128xi32, #tpu.memory_space<hbm>>
    tpu.enqueue_dma source(%dma_start3A_7 : memref<4x128xi32, #tpu.memory_space<hbm>>) target(%arg5 : memref<4x128xi32, #tpu.memory_space<vmem>>) target_semaphore(%arg8 : memref<!tpu.dma_semaphore, #tpu.memory_space<semaphore_mem>>)
    tpu.wait_dma2 semaphore(%arg8 : memref<!tpu.dma_semaphore, #tpu.memory_space<semaphore_mem>>) src(%arg3 : memref<6x128xf32, #tpu.memory_space<hbm>>) dst(%arg7 : memref<6x128xf32, #tpu.memory_space<vmem_shared>>)
    %mul3A_8 = arith.constant 4 : i32
    %mul3A_9 = arith.muli %add3A, %mul3A_8 : i32
    %dma_wait3A = arith.constant 0 : i32
    %dma_wait3A_10 = tpu.memref_slice %arg2[%mul3A_9, %dma_wait3A] : memref<128x128xi32, #tpu.memory_space<hbm>> -> memref<4x128xi32, #tpu.memory_space<hbm>>
    %dma_wait3A_11 = arith.constant 0 : i32
    %dma_wait3A_12 = tpu.memref_slice %arg2[%mul3A_9, %dma_wait3A_11] : memref<128x128xi32, #tpu.memory_space<hbm>> -> memref<4x128xi32, #tpu.memory_space<hbm>>
    tpu.wait_dma2 semaphore(%arg8 : memref<!tpu.dma_semaphore, #tpu.memory_space<semaphore_mem>>) src(%dma_wait3A_12 : memref<4x128xi32, #tpu.memory_space<hbm>>) dst(%arg5 : memref<4x128xi32, #tpu.memory_space<vmem>>)
    %dma_start3A_13 = arith.constant 0 : i32
    %dma_start3A_14 = arith.constant 0 : i32
    %dma_start3A_15 = arith.constant 0 : i32
    %dma_start3A_16 = tpu.memref_slice %arg6[%dma_start3A_14, %dma_start3A_15] : memref<512x128xf32, #tpu.memory_space<vmem>> -> memref<128x128xf32, #tpu.memory_space<vmem>>
    %dma_start3A_17 = arith.constant 0 : i32
    %dma_start3A_18 = tpu.memref_slice %arg5[%dma_start3A_13, %dma_start3A_17] : memref<4x128xi32, #tpu.memory_space<vmem>> -> memref<1x128xi32, #tpu.memory_space<vmem>>
    %dma_start3A_19 = tpu.memref_squeeze %dma_start3A_18 : memref<1x128xi32, #tpu.memory_space<vmem>> -> memref<128xi32, #tpu.memory_space<vmem>>
    %dma_start3A_20 = arith.constant 0 : i32
    %dma_start3A_21 = arith.constant 0 : i32
    %dma_start3A_22 = tpu.memref_slice %arg7[%dma_start3A_20, %dma_start3A_21] : memref<6x128xf32, #tpu.memory_space<vmem_shared>> -> memref<6x128xf32, #tpu.memory_space<vmem_shared>>
    tpu.enqueue_indirect_dma source(%dma_start3A_22 : memref<6x128xf32, #tpu.memory_space<vmem_shared>>) target(%dma_start3A_16 : memref<128x128xf32, #tpu.memory_space<vmem>>) offsets(%dma_start3A_19 : memref<128xi32, #tpu.memory_space<vmem>>) semaphore(%arg8 : memref<!tpu.dma_semaphore, #tpu.memory_space<semaphore_mem>>)
    %dma_start3A_23 = arith.constant 1 : i32
    %dma_start3A_24 = arith.constant 128 : i32
    %dma_start3A_25 = arith.constant 0 : i32
    %dma_start3A_26 = tpu.memref_slice %arg6[%dma_start3A_24, %dma_start3A_25] : memref<512x128xf32, #tpu.memory_space<vmem>> -> memref<128x128xf32, #tpu.memory_space<vmem>>
    %dma_start3A_27 = arith.constant 0 : i32
    %dma_start3A_28 = tpu.memref_slice %arg5[%dma_start3A_23, %dma_start3A_27] : memref<4x128xi32, #tpu.memory_space<vmem>> -> memref<1x128xi32, #tpu.memory_space<vmem>>
    %dma_start3A_29 = tpu.memref_squeeze %dma_start3A_28 : memref<1x128xi32, #tpu.memory_space<vmem>> -> memref<128xi32, #tpu.memory_space<vmem>>
    %dma_start3A_30 = arith.constant 0 : i32
    %dma_start3A_31 = arith.constant 0 : i32
    %dma_start3A_32 = tpu.memref_slice %arg7[%dma_start3A_30, %dma_start3A_31] : memref<6x128xf32, #tpu.memory_space<vmem_shared>> -> memref<6x128xf32, #tpu.memory_space<vmem_shared>>
    tpu.enqueue_indirect_dma source(%dma_start3A_32 : memref<6x128xf32, #tpu.memory_space<vmem_shared>>) target(%dma_start3A_26 : memref<128x128xf32, #tpu.memory_space<vmem>>) offsets(%dma_start3A_29 : memref<128xi32, #tpu.memory_space<vmem>>) semaphore(%arg8 : memref<!tpu.dma_semaphore, #tpu.memory_space<semaphore_mem>>)
    %dma_start3A_33 = arith.constant 2 : i32
    %dma_start3A_34 = arith.constant 256 : i32
    %dma_start3A_35 = arith.constant 0 : i32
    %dma_start3A_36 = tpu.memref_slice %arg6[%dma_start3A_34, %dma_start3A_35] : memref<512x128xf32, #tpu.memory_space<vmem>> -> memref<128x128xf32, #tpu.memory_space<vmem>>
    %dma_start3A_37 = arith.constant 0 : i32
    %dma_start3A_38 = tpu.memref_slice %arg5[%dma_start3A_33, %dma_start3A_37] : memref<4x128xi32, #tpu.memory_space<vmem>> -> memref<1x128xi32, #tpu.memory_space<vmem>>
    %dma_start3A_39 = tpu.memref_squeeze %dma_start3A_38 : memref<1x128xi32, #tpu.memory_space<vmem>> -> memref<128xi32, #tpu.memory_space<vmem>>
    %dma_start3A_40 = arith.constant 0 : i32
    %dma_start3A_41 = arith.constant 0 : i32
    %dma_start3A_42 = tpu.memref_slice %arg7[%dma_start3A_40, %dma_start3A_41] : memref<6x128xf32, #tpu.memory_space<vmem_shared>> -> memref<6x128xf32, #tpu.memory_space<vmem_shared>>
    tpu.enqueue_indirect_dma source(%dma_start3A_42 : memref<6x128xf32, #tpu.memory_space<vmem_shared>>) target(%dma_start3A_36 : memref<128x128xf32, #tpu.memory_space<vmem>>) offsets(%dma_start3A_39 : memref<128xi32, #tpu.memory_space<vmem>>) semaphore(%arg8 : memref<!tpu.dma_semaphore, #tpu.memory_space<semaphore_mem>>)
    %dma_start3A_43 = arith.constant 3 : i32
    %dma_start3A_44 = arith.constant 384 : i32
    %dma_start3A_45 = arith.constant 0 : i32
    %dma_start3A_46 = tpu.memref_slice %arg6[%dma_start3A_44, %dma_start3A_45] : memref<512x128xf32, #tpu.memory_space<vmem>> -> memref<128x128xf32, #tpu.memory_space<vmem>>
    %dma_start3A_47 = arith.constant 0 : i32
    %dma_start3A_48 = tpu.memref_slice %arg5[%dma_start3A_43, %dma_start3A_47] : memref<4x128xi32, #tpu.memory_space<vmem>> -> memref<1x128xi32, #tpu.memory_space<vmem>>
    %dma_start3A_49 = tpu.memref_squeeze %dma_start3A_48 : memref<1x128xi32, #tpu.memory_space<vmem>> -> memref<128xi32, #tpu.memory_space<vmem>>
    %dma_start3A_50 = arith.constant 0 : i32
    %dma_start3A_51 = arith.constant 0 : i32
    %dma_start3A_52 = tpu.memref_slice %arg7[%dma_start3A_50, %dma_start3A_51] : memref<6x128xf32, #tpu.memory_space<vmem_shared>> -> memref<6x128xf32, #tpu.memory_space<vmem_shared>>
    tpu.enqueue_indirect_dma source(%dma_start3A_52 : memref<6x128xf32, #tpu.memory_space<vmem_shared>>) target(%dma_start3A_46 : memref<128x128xf32, #tpu.memory_space<vmem>>) offsets(%dma_start3A_49 : memref<128xi32, #tpu.memory_space<vmem>>) semaphore(%arg8 : memref<!tpu.dma_semaphore, #tpu.memory_space<semaphore_mem>>)
    %dma_wait3A_53 = arith.constant 0 : i32
    %dma_wait3A_54 = arith.constant 0 : i32
    %dma_wait3A_55 = arith.constant 0 : i32
    %dma_wait3A_56 = tpu.memref_slice %arg6[%dma_wait3A_54, %dma_wait3A_55] : memref<512x128xf32, #tpu.memory_space<vmem>> -> memref<128x128xf32, #tpu.memory_space<vmem>>
    %dma_wait3A_57 = arith.constant 0 : i32
    %dma_wait3A_58 = tpu.memref_slice %arg5[%dma_wait3A_53, %dma_wait3A_57] : memref<4x128xi32, #tpu.memory_space<vmem>> -> memref<1x128xi32, #tpu.memory_space<vmem>>
    %dma_wait3A_59 = tpu.memref_squeeze %dma_wait3A_58 : memref<1x128xi32, #tpu.memory_space<vmem>> -> memref<128xi32, #tpu.memory_space<vmem>>
    %dma_wait3A_60 = arith.constant 0 : i32
    %dma_wait3A_61 = arith.constant 0 : i32
    %dma_wait3A_62 = tpu.memref_slice %arg7[%dma_wait3A_60, %dma_wait3A_61] : memref<6x128xf32, #tpu.memory_space<vmem_shared>> -> memref<6x128xf32, #tpu.memory_space<vmem_shared>>
    tpu.wait_indirect_dma semaphore(%arg8 : memref<!tpu.dma_semaphore, #tpu.memory_space<semaphore_mem>>) src(%dma_wait3A_62 : memref<6x128xf32, #tpu.memory_space<vmem_shared>>) dst(%dma_wait3A_56 : memref<128x128xf32, #tpu.memory_space<vmem>>)
    %add3A_63 = arith.constant 0 : i32
    %add3A_64 = arith.addi %mul3A_2, %add3A_63 : i32
    %dma_start3A_65 = arith.constant 0 : i32
    %dma_start3A_66 = arith.constant 0 : i32
    %dma_start3A_67 = tpu.memref_slice %arg6[%dma_start3A_65, %dma_start3A_66] : memref<512x128xf32, #tpu.memory_space<vmem>> -> memref<128x128xf32, #tpu.memory_space<vmem>>
    %dma_start3A_68 = arith.constant 0 : i32
    %dma_start3A_69 = tpu.memref_slice %arg4[%add3A_64, %dma_start3A_68] : memref<16384x128xf32, #tpu.memory_space<hbm>> -> memref<128x128xf32, #tpu.memory_space<hbm>>
    %dma_start3A_70 = arith.constant 0 : i32
    %dma_start3A_71 = tpu.memref_slice %arg4[%add3A_64, %dma_start3A_70] : memref<16384x128xf32, #tpu.memory_space<hbm>> -> memref<128x128xf32, #tpu.memory_space<hbm>>
    %dma_start3A_72 = arith.constant 0 : i32
    %dma_start3A_73 = arith.constant 0 : i32
    %dma_start3A_74 = tpu.memref_slice %arg6[%dma_start3A_72, %dma_start3A_73] : memref<512x128xf32, #tpu.memory_space<vmem>> -> memref<128x128xf32, #tpu.memory_space<vmem>>
    tpu.enqueue_dma source(%dma_start3A_74 : memref<128x128xf32, #tpu.memory_space<vmem>>) target(%dma_start3A_71 : memref<128x128xf32, #tpu.memory_space<hbm>>) target_semaphore(%arg9 : memref<!tpu.dma_semaphore, #tpu.memory_space<semaphore_mem>>)
    %dma_wait3A_75 = arith.constant 1 : i32
    %dma_wait3A_76 = arith.constant 128 : i32
    %dma_wait3A_77 = arith.constant 0 : i32
    %dma_wait3A_78 = tpu.memref_slice %arg6[%dma_wait3A_76, %dma_wait3A_77] : memref<512x128xf32, #tpu.memory_space<vmem>> -> memref<128x128xf32, #tpu.memory_space<vmem>>
    %dma_wait3A_79 = arith.constant 0 : i32
    %dma_wait3A_80 = tpu.memref_slice %arg5[%dma_wait3A_75, %dma_wait3A_79] : memref<4x128xi32, #tpu.memory_space<vmem>> -> memref<1x128xi32, #tpu.memory_space<vmem>>
    %dma_wait3A_81 = tpu.memref_squeeze %dma_wait3A_80 : memref<1x128xi32, #tpu.memory_space<vmem>> -> memref<128xi32, #tpu.memory_space<vmem>>
    %dma_wait3A_82 = arith.constant 0 : i32
    %dma_wait3A_83 = arith.constant 0 : i32
    %dma_wait3A_84 = tpu.memref_slice %arg7[%dma_wait3A_82, %dma_wait3A_83] : memref<6x128xf32, #tpu.memory_space<vmem_shared>> -> memref<6x128xf32, #tpu.memory_space<vmem_shared>>
    tpu.wait_indirect_dma semaphore(%arg8 : memref<!tpu.dma_semaphore, #tpu.memory_space<semaphore_mem>>) src(%dma_wait3A_84 : memref<6x128xf32, #tpu.memory_space<vmem_shared>>) dst(%dma_wait3A_78 : memref<128x128xf32, #tpu.memory_space<vmem>>)
    %add3A_85 = arith.constant 128 : i32
    %add3A_86 = arith.addi %mul3A_2, %add3A_85 : i32
    %dma_start3A_87 = arith.constant 128 : i32
    %dma_start3A_88 = arith.constant 0 : i32
    %dma_start3A_89 = tpu.memref_slice %arg6[%dma_start3A_87, %dma_start3A_88] : memref<512x128xf32, #tpu.memory_space<vmem>> -> memref<128x128xf32, #tpu.memory_space<vmem>>
    %dma_start3A_90 = arith.constant 0 : i32
    %dma_start3A_91 = tpu.memref_slice %arg4[%add3A_86, %dma_start3A_90] : memref<16384x128xf32, #tpu.memory_space<hbm>> -> memref<128x128xf32, #tpu.memory_space<hbm>>
    %dma_start3A_92 = arith.constant 0 : i32
    %dma_start3A_93 = tpu.memref_slice %arg4[%add3A_86, %dma_start3A_92] : memref<16384x128xf32, #tpu.memory_space<hbm>> -> memref<128x128xf32, #tpu.memory_space<hbm>>
    %dma_start3A_94 = arith.constant 128 : i32
    %dma_start3A_95 = arith.constant 0 : i32
    %dma_start3A_96 = tpu.memref_slice %arg6[%dma_start3A_94, %dma_start3A_95] : memref<512x128xf32, #tpu.memory_space<vmem>> -> memref<128x128xf32, #tpu.memory_space<vmem>>
    tpu.enqueue_dma source(%dma_start3A_96 : memref<128x128xf32, #tpu.memory_space<vmem>>) target(%dma_start3A_93 : memref<128x128xf32, #tpu.memory_space<hbm>>) target_semaphore(%arg9 : memref<!tpu.dma_semaphore, #tpu.memory_space<semaphore_mem>>)
    %dma_wait3A_97 = arith.constant 2 : i32
    %dma_wait3A_98 = arith.constant 256 : i32
    %dma_wait3A_99 = arith.constant 0 : i32
    %dma_wait3A_100 = tpu.memref_slice %arg6[%dma_wait3A_98, %dma_wait3A_99] : memref<512x128xf32, #tpu.memory_space<vmem>> -> memref<128x128xf32, #tpu.memory_space<vmem>>
    %dma_wait3A_101 = arith.constant 0 : i32
    %dma_wait3A_102 = tpu.memref_slice %arg5[%dma_wait3A_97, %dma_wait3A_101] : memref<4x128xi32, #tpu.memory_space<vmem>> -> memref<1x128xi32, #tpu.memory_space<vmem>>
    %dma_wait3A_103 = tpu.memref_squeeze %dma_wait3A_102 : memref<1x128xi32, #tpu.memory_space<vmem>> -> memref<128xi32, #tpu.memory_space<vmem>>
    %dma_wait3A_104 = arith.constant 0 : i32
    %dma_wait3A_105 = arith.constant 0 : i32
    %dma_wait3A_106 = tpu.memref_slice %arg7[%dma_wait3A_104, %dma_wait3A_105] : memref<6x128xf32, #tpu.memory_space<vmem_shared>> -> memref<6x128xf32, #tpu.memory_space<vmem_shared>>
    tpu.wait_indirect_dma semaphore(%arg8 : memref<!tpu.dma_semaphore, #tpu.memory_space<semaphore_mem>>) src(%dma_wait3A_106 : memref<6x128xf32, #tpu.memory_space<vmem_shared>>) dst(%dma_wait3A_100 : memref<128x128xf32, #tpu.memory_space<vmem>>)
    %add3A_107 = arith.constant 256 : i32
    %add3A_108 = arith.addi %mul3A_2, %add3A_107 : i32
    %dma_start3A_109 = arith.constant 256 : i32
    %dma_start3A_110 = arith.constant 0 : i32
    %dma_start3A_111 = tpu.memref_slice %arg6[%dma_start3A_109, %dma_start3A_110] : memref<512x128xf32, #tpu.memory_space<vmem>> -> memref<128x128xf32, #tpu.memory_space<vmem>>
    %dma_start3A_112 = arith.constant 0 : i32
    %dma_start3A_113 = tpu.memref_slice %arg4[%add3A_108, %dma_start3A_112] : memref<16384x128xf32, #tpu.memory_space<hbm>> -> memref<128x128xf32, #tpu.memory_space<hbm>>
    %dma_start3A_114 = arith.constant 0 : i32
    %dma_start3A_115 = tpu.memref_slice %arg4[%add3A_108, %dma_start3A_114] : memref<16384x128xf32, #tpu.memory_space<hbm>> -> memref<128x128xf32, #tpu.memory_space<hbm>>
    %dma_start3A_116 = arith.constant 256 : i32
    %dma_start3A_117 = arith.constant 0 : i32
    %dma_start3A_118 = tpu.memref_slice %arg6[%dma_start3A_116, %dma_start3A_117] : memref<512x128xf32, #tpu.memory_space<vmem>> -> memref<128x128xf32, #tpu.memory_space<vmem>>
    tpu.enqueue_dma source(%dma_start3A_118 : memref<128x128xf32, #tpu.memory_space<vmem>>) target(%dma_start3A_115 : memref<128x128xf32, #tpu.memory_space<hbm>>) target_semaphore(%arg9 : memref<!tpu.dma_semaphore, #tpu.memory_space<semaphore_mem>>)
    %dma_wait3A_119 = arith.constant 3 : i32
    %dma_wait3A_120 = arith.constant 384 : i32
    %dma_wait3A_121 = arith.constant 0 : i32
    %dma_wait3A_122 = tpu.memref_slice %arg6[%dma_wait3A_120, %dma_wait3A_121] : memref<512x128xf32, #tpu.memory_space<vmem>> -> memref<128x128xf32, #tpu.memory_space<vmem>>
    %dma_wait3A_123 = arith.constant 0 : i32
    %dma_wait3A_124 = tpu.memref_slice %arg5[%dma_wait3A_119, %dma_wait3A_123] : memref<4x128xi32, #tpu.memory_space<vmem>> -> memref<1x128xi32, #tpu.memory_space<vmem>>
    %dma_wait3A_125 = tpu.memref_squeeze %dma_wait3A_124 : memref<1x128xi32, #tpu.memory_space<vmem>> -> memref<128xi32, #tpu.memory_space<vmem>>
    %dma_wait3A_126 = arith.constant 0 : i32
    %dma_wait3A_127 = arith.constant 0 : i32
    %dma_wait3A_128 = tpu.memref_slice %arg7[%dma_wait3A_126, %dma_wait3A_127] : memref<6x128xf32, #tpu.memory_space<vmem_shared>> -> memref<6x128xf32, #tpu.memory_space<vmem_shared>>
    tpu.wait_indirect_dma semaphore(%arg8 : memref<!tpu.dma_semaphore, #tpu.memory_space<semaphore_mem>>) src(%dma_wait3A_128 : memref<6x128xf32, #tpu.memory_space<vmem_shared>>) dst(%dma_wait3A_122 : memref<128x128xf32, #tpu.memory_space<vmem>>)
    %add3A_129 = arith.constant 384 : i32
    %add3A_130 = arith.addi %mul3A_2, %add3A_129 : i32
    %dma_start3A_131 = arith.constant 384 : i32
    %dma_start3A_132 = arith.constant 0 : i32
    %dma_start3A_133 = tpu.memref_slice %arg6[%dma_start3A_131, %dma_start3A_132] : memref<512x128xf32, #tpu.memory_space<vmem>> -> memref<128x128xf32, #tpu.memory_space<vmem>>
    %dma_start3A_134 = arith.constant 0 : i32
    %dma_start3A_135 = tpu.memref_slice %arg4[%add3A_130, %dma_start3A_134] : memref<16384x128xf32, #tpu.memory_space<hbm>> -> memref<128x128xf32, #tpu.memory_space<hbm>>
    %dma_start3A_136 = arith.constant 0 : i32
    %dma_start3A_137 = tpu.memref_slice %arg4[%add3A_130, %dma_start3A_136] : memref<16384x128xf32, #tpu.memory_space<hbm>> -> memref<128x128xf32, #tpu.memory_space<hbm>>
    %dma_start3A_138 = arith.constant 384 : i32
    %dma_start3A_139 = arith.constant 0 : i32
    %dma_start3A_140 = tpu.memref_slice %arg6[%dma_start3A_138, %dma_start3A_139] : memref<512x128xf32, #tpu.memory_space<vmem>> -> memref<128x128xf32, #tpu.memory_space<vmem>>
    tpu.enqueue_dma source(%dma_start3A_140 : memref<128x128xf32, #tpu.memory_space<vmem>>) target(%dma_start3A_137 : memref<128x128xf32, #tpu.memory_space<hbm>>) target_semaphore(%arg9 : memref<!tpu.dma_semaphore, #tpu.memory_space<semaphore_mem>>)
    %add3A_141 = arith.constant 0 : i32
    %add3A_142 = arith.addi %mul3A_2, %add3A_141 : i32
    %dma_wait3A_143 = arith.constant 0 : i32
    %dma_wait3A_144 = arith.constant 0 : i32
    %dma_wait3A_145 = tpu.memref_slice %arg6[%dma_wait3A_143, %dma_wait3A_144] : memref<512x128xf32, #tpu.memory_space<vmem>> -> memref<128x128xf32, #tpu.memory_space<vmem>>
    %dma_wait3A_146 = arith.constant 0 : i32
    %dma_wait3A_147 = tpu.memref_slice %arg4[%add3A_142, %dma_wait3A_146] : memref<16384x128xf32, #tpu.memory_space<hbm>> -> memref<128x128xf32, #tpu.memory_space<hbm>>
    %dma_wait3A_148 = arith.constant 0 : i32
    %dma_wait3A_149 = tpu.memref_slice %arg4[%add3A_142, %dma_wait3A_148] : memref<16384x128xf32, #tpu.memory_space<hbm>> -> memref<128x128xf32, #tpu.memory_space<hbm>>
    %dma_wait3A_150 = arith.constant 0 : i32
    %dma_wait3A_151 = arith.constant 0 : i32
    %dma_wait3A_152 = tpu.memref_slice %arg6[%dma_wait3A_150, %dma_wait3A_151] : memref<512x128xf32, #tpu.memory_space<vmem>> -> memref<128x128xf32, #tpu.memory_space<vmem>>
    tpu.wait_dma2 semaphore(%arg9 : memref<!tpu.dma_semaphore, #tpu.memory_space<semaphore_mem>>) src(%dma_wait3A_152 : memref<128x128xf32, #tpu.memory_space<vmem>>) dst(%dma_wait3A_149 : memref<128x128xf32, #tpu.memory_space<hbm>>)
    %add3A_153 = arith.constant 128 : i32
    %add3A_154 = arith.addi %mul3A_2, %add3A_153 : i32
    %dma_wait3A_155 = arith.constant 128 : i32
    %dma_wait3A_156 = arith.constant 0 : i32
    %dma_wait3A_157 = tpu.memref_slice %arg6[%dma_wait3A_155, %dma_wait3A_156] : memref<512x128xf32, #tpu.memory_space<vmem>> -> memref<128x128xf32, #tpu.memory_space<vmem>>
    %dma_wait3A_158 = arith.constant 0 : i32
    %dma_wait3A_159 = tpu.memref_slice %arg4[%add3A_154, %dma_wait3A_158] : memref<16384x128xf32, #tpu.memory_space<hbm>> -> memref<128x128xf32, #tpu.memory_space<hbm>>
    %dma_wait3A_160 = arith.constant 0 : i32
    %dma_wait3A_161 = tpu.memref_slice %arg4[%add3A_154, %dma_wait3A_160] : memref<16384x128xf32, #tpu.memory_space<hbm>> -> memref<128x128xf32, #tpu.memory_space<hbm>>
    %dma_wait3A_162 = arith.constant 128 : i32
    %dma_wait3A_163 = arith.constant 0 : i32
    %dma_wait3A_164 = tpu.memref_slice %arg6[%dma_wait3A_162, %dma_wait3A_163] : memref<512x128xf32, #tpu.memory_space<vmem>> -> memref<128x128xf32, #tpu.memory_space<vmem>>
    tpu.wait_dma2 semaphore(%arg9 : memref<!tpu.dma_semaphore, #tpu.memory_space<semaphore_mem>>) src(%dma_wait3A_164 : memref<128x128xf32, #tpu.memory_space<vmem>>) dst(%dma_wait3A_161 : memref<128x128xf32, #tpu.memory_space<hbm>>)
    %add3A_165 = arith.constant 256 : i32
    %add3A_166 = arith.addi %mul3A_2, %add3A_165 : i32
    %dma_wait3A_167 = arith.constant 256 : i32
    %dma_wait3A_168 = arith.constant 0 : i32
    %dma_wait3A_169 = tpu.memref_slice %arg6[%dma_wait3A_167, %dma_wait3A_168] : memref<512x128xf32, #tpu.memory_space<vmem>> -> memref<128x128xf32, #tpu.memory_space<vmem>>
    %dma_wait3A_170 = arith.constant 0 : i32
    %dma_wait3A_171 = tpu.memref_slice %arg4[%add3A_166, %dma_wait3A_170] : memref<16384x128xf32, #tpu.memory_space<hbm>> -> memref<128x128xf32, #tpu.memory_space<hbm>>
    %dma_wait3A_172 = arith.constant 0 : i32
    %dma_wait3A_173 = tpu.memref_slice %arg4[%add3A_166, %dma_wait3A_172] : memref<16384x128xf32, #tpu.memory_space<hbm>> -> memref<128x128xf32, #tpu.memory_space<hbm>>
    %dma_wait3A_174 = arith.constant 256 : i32
    %dma_wait3A_175 = arith.constant 0 : i32
    %dma_wait3A_176 = tpu.memref_slice %arg6[%dma_wait3A_174, %dma_wait3A_175] : memref<512x128xf32, #tpu.memory_space<vmem>> -> memref<128x128xf32, #tpu.memory_space<vmem>>
    tpu.wait_dma2 semaphore(%arg9 : memref<!tpu.dma_semaphore, #tpu.memory_space<semaphore_mem>>) src(%dma_wait3A_176 : memref<128x128xf32, #tpu.memory_space<vmem>>) dst(%dma_wait3A_173 : memref<128x128xf32, #tpu.memory_space<hbm>>)
    %add3A_177 = arith.constant 384 : i32
    %add3A_178 = arith.addi %mul3A_2, %add3A_177 : i32
    %dma_wait3A_179 = arith.constant 384 : i32
    %dma_wait3A_180 = arith.constant 0 : i32
    %dma_wait3A_181 = tpu.memref_slice %arg6[%dma_wait3A_179, %dma_wait3A_180] : memref<512x128xf32, #tpu.memory_space<vmem>> -> memref<128x128xf32, #tpu.memory_space<vmem>>
    %dma_wait3A_182 = arith.constant 0 : i32
    %dma_wait3A_183 = tpu.memref_slice %arg4[%add3A_178, %dma_wait3A_182] : memref<16384x128xf32, #tpu.memory_space<hbm>> -> memref<128x128xf32, #tpu.memory_space<hbm>>
    %dma_wait3A_184 = arith.constant 0 : i32
    %dma_wait3A_185 = tpu.memref_slice %arg4[%add3A_178, %dma_wait3A_184] : memref<16384x128xf32, #tpu.memory_space<hbm>> -> memref<128x128xf32, #tpu.memory_space<hbm>>
    %dma_wait3A_186 = arith.constant 384 : i32
    %dma_wait3A_187 = arith.constant 0 : i32
    %dma_wait3A_188 = tpu.memref_slice %arg6[%dma_wait3A_186, %dma_wait3A_187] : memref<512x128xf32, #tpu.memory_space<vmem>> -> memref<128x128xf32, #tpu.memory_space<vmem>>
    tpu.wait_dma2 semaphore(%arg9 : memref<!tpu.dma_semaphore, #tpu.memory_space<semaphore_mem>>) src(%dma_wait3A_188 : memref<128x128xf32, #tpu.memory_space<vmem>>) dst(%dma_wait3A_185 : memref<128x128xf32, #tpu.memory_space<hbm>>)
    return
  }
}

</mosaic_0001>

<sc_bundles>
// kernel: _run.3.cloned.1.call-start
scs
__scs_entry_jumppad:
0x0: {  	(pc) =	sbr.rel $0x88, $3  }
0x1: {  	(tag) =	ssettag $0x0;
	lr =	simm.s32 $0x1  }
0x2: {  	[smem:$0x3F9F] =	sst lr;
	_ =	strace $0xD0000000  }
0x3: {  	_ = 	snop  }
0x4: {  	_ = 	snop  }
0x5: {  	_ = 	snop  }
0x6: {  	_ = 	snop  }
0x7: {  	_ = 	snop  }
__scs_overlays_trampoline_lowered:
0x8: {  	[smem:$0x3FAE] =	sst s0  }
0x9: {  	[smem:$0x3FAF] =	sst s1  }
0xa: {  	[smem:$0x3FB0] =	sst s2  }
0xb: {  	[smem:$0x3FB1] =	sst s3  }
0xc: {  	[smem:$0x3FB2] =	sst s4  }
0xd: {  	[smem:$0x3FB3] =	sst s5  }
0xe: {  	[smem:$0x3FB4] =	sst s6  }
0xf: {  	[smem:$0x3FB5] =	sst s7  }
0x10: {  	[smem:$0x3FB6] =	sst s8  }
0x11: {  	[smem:$0x3FB7] =	sst s9;
	s0 =	simm.s32 @!p0 $0x0  }
0x12: {  	s1 =	sld [smem:$0x3F9D];
	s0 =	simm.s32 @p0 $0x1  }
0x13: {  	[smem:$0x3FB8] =	sst s0;
	s0 =	simm.s32 @!p1 $0x0  }
0x14: {  	s2 =	sld [smem:$0x3F9C];
	s0 =	simm.s32 @p1 $0x1  }
0x15: {  	[smem:$0x3FB9] =	sst s0;
	s0 =	simm.s32 @!p2 $0x0  }
0x16: {  	s3 =	sld [smem:$0x3FDB];
	s0 =	simm.s32 @p2 $0x1  }
0x17: {  	s4 =	simm.s32 $0x1BF5;
	[smem:$0x3FBB] =	sst s0  }
0x18: {  	s0 =	sld [smem:$0x3F9E];
	_ =	swait.ge [sflag:s4], $0x0  }
0x19: {  	s7 =	sld [smem:$0x3F9F]  }
0x1a: {  	s8 =	sadd.s32 $0xFFFFE003, lr  }
0x1b: {  	s9 =	sadd.s32 $0xFFFFFEF7, lr;
	s5 =	simm.s32 $0xFFFFFFFF;
	p2 =	slt.u32 s8, $0xFFFFF086  }
0x1c: {  	p1 =	slt.u32 s9, $0xF7A;
	s5 =	simm.s32 @!p2 $0x0  }
0x1d: {  	s5 =	simm.s32 @p1 $0x1;
	p0 =	seq.s32 s7, s2  }
0x1e: {  	s7 =	smul.u32 @!p0 $0xF7A, s2;
	p2 =	seq.s32 @!p0 s5, $0x0  }
0x1f: {  	s9 =	smul.u32 $0xF7A, s1;
	s8 =	simm.s32 @!p0 $0x1BF5;
	p2 =	por !p2, p0  }
0x20: {  	[sflag:s8] =	ssyncset.s32 @!p0 $0xFFFFF086;
	s6 =	sadd.s32 @!p0 s3, s7;
	s7 =	simm.s32 @!p0 $0x108  }
0x21: {  	s3 =	sadd.s32 s3, s9;
	s6 =	sadd.s32 @!p0 $0x88, s6;
	s7 =	simm.s32 @p2 $0x1082  }
0x22: {  	[simem:s7], [sflag:s8] =	dma.local @!p0 [hbm:s6], $0xF7A  }
0x23: {  	s9 =	sor.u32 $0xD0000000, s2;
	s6 =	simm.s32 $0x108;
	_ =	swait.ge @!p0 [sflag:s8], $0x0  }
0x24: {  	s3 =	sadd.s32 $0x88, s3;
	s6 =	simm.s32 @!p1 $0x1082;
	[sflag:s4] =	ssyncset.s32 $0xFFFFF086  }
0x25: {  	[simem:s6], [sflag:s4] =	dma.local [hbm:s3], $0xF7A  }
0x26: {  	[smem:$0x3F9F] =	sst s1;
	(tag) =	ssettag s2;
	_ =	strace s9  }
0x27: {  	s1 =	sld [smem:$0x3FAF]  }
0x28: {  	s2 =	sld [smem:$0x3FB0]  }
0x29: {  	s4 =	sld [smem:$0x3FB2]  }
0x2a: {  	p0 =	seq.s32 s5, $0x0;
	s5 =	sld [smem:$0x3FB3]  }
0x2b: {  	s6 =	sld [smem:$0x3FB4]  }
0x2c: {  	s7 =	sld [smem:$0x3FB5]  }
0x2d: {  	s3 =	simm.s32 $0x108;
	s8 =	sld [smem:$0x3FB6]  }
0x2e: {  	s3 =	simm.s32 @!p0 $0x1082;
	s9 =	sld [smem:$0x3FB7]  }
0x2f: {  	lr =	sadd.s32 s0, s3;
	s0 =	sld [smem:$0x3FAE]  }
0x30: {  	s3 =	sld [smem:$0x3FB1]  }
0x31: {  	[smem:$0x3FBA] =	sst s10  }
0x32: {  	s10 =	sld [smem:$0x3FB8];
	_ =	sdelay $0x3  }
0x33: {  	p0 =	seq.s32 s10, $0x1;
	s10 =	sld [smem:$0x3FBA];
	_ =	sdelay $0x3  }
0x34: {  	[smem:$0x3FBA] =	sst s10  }
0x35: {  	s10 =	sld [smem:$0x3FB9];
	_ =	sdelay $0x3  }
0x36: {  	p1 =	seq.s32 s10, $0x1;
	s10 =	sld [smem:$0x3FBA];
	_ =	sdelay $0x3  }
0x37: {  	[smem:$0x3FBA] =	sst s10  }
0x38: {  	s10 =	sld [smem:$0x3FBB]  }
0x39: {  	_ = 	snop;
	(pc) =	sbr.ind lr, $3  }
0x3a: {  	_ = 	snop  }
0x3b: {  	_ = 	snop  }
0x3c: {  	p2 =	seq.s32 s10, $0x1;
	s10 =	sld [smem:$0x3FBA]  }
0x3d: {  	_ =	shalt  }
0x3e: {  	_ =	shalt  }
0x3f: {  	_ =	shalt  }
0x40: {  	_ =	shalt  }
0x41: {  	_ =	shalt  }
0x42: {  	_ =	shalt  }
0x43: {  	_ =	shalt  }
0x44: {  	_ =	shalt  }
0x45: {  	_ =	shalt  }
0x46: {  	_ =	shalt  }
0x47: {  	_ =	shalt  }
0x48: {  	_ =	shalt  }
0x49: {  	_ =	shalt  }
0x4a: {  	_ =	shalt  }
0x4b: {  	_ =	shalt  }
0x4c: {  	_ =	shalt  }
0x4d: {  	_ =	shalt  }
0x4e: {  	_ =	shalt  }
0x4f: {  	_ =	shalt  }
0x50: {  	_ =	shalt  }
0x51: {  	_ =	shalt  }
0x52: {  	_ =	shalt  }
0x53: {  	_ =	shalt  }
0x54: {  	_ =	shalt  }
0x55: {  	_ =	shalt  }
0x56: {  	_ =	shalt  }
0x57: {  	_ =	shalt  }
0x58: {  	_ =	shalt  }
0x59: {  	_ =	shalt  }
0x5a: {  	_ =	shalt  }
0x5b: {  	_ =	shalt  }
0x5c: {  	_ =	shalt  }
0x5d: {  	_ =	shalt  }
0x5e: {  	_ =	shalt  }
0x5f: {  	_ =	shalt  }
0x60: {  	_ =	shalt  }
0x61: {  	_ =	shalt  }
0x62: {  	_ =	shalt  }
0x63: {  	_ =	shalt  }
0x64: {  	_ =	shalt  }
0x65: {  	_ =	shalt  }
0x66: {  	_ =	shalt  }
0x67: {  	_ =	shalt  }
0x68: {  	_ =	shalt  }
0x69: {  	_ =	shalt  }
0x6a: {  	_ =	shalt  }
0x6b: {  	_ =	shalt  }
0x6c: {  	_ =	shalt  }
0x6d: {  	_ =	shalt  }
0x6e: {  	_ =	shalt  }
0x6f: {  	_ =	shalt  }
0x70: {  	_ =	shalt  }
0x71: {  	_ =	shalt  }
0x72: {  	_ =	shalt  }
0x73: {  	_ =	shalt  }
0x74: {  	_ =	shalt  }
0x75: {  	_ =	shalt  }
0x76: {  	_ =	shalt  }
0x77: {  	_ =	shalt  }
0x78: {  	_ =	shalt  }
0x79: {  	_ =	shalt  }
0x7a: {  	_ =	shalt  }
0x7b: {  	_ =	shalt  }
0x7c: {  	_ =	shalt  }
0x7d: {  	_ =	shalt  }
0x7e: {  	_ =	shalt  }
0x7f: {  	_ =	shalt  }
0x80: {  	_ =	shalt  }
0x81: {  	_ =	shalt  }
0x82: {  	_ =	shalt  }
0x83: {  	_ =	shalt  }
0x84: {  	_ =	shalt  }
0x85: {  	_ =	shalt  }
0x86: {  	_ =	shalt  }
0x87: {  	_ =	shalt  }
.Lfunc_end0:
.L_simem_size_0:
called_computation_lowered:
.L_overlay_start_0:
0x88: {  	s2 =	sld [smem:$0x3FD9]  }
0x89: {  	s3 =	sld [smem:$0x3FFE];
	_ =	sdelay $0x1  }
0x8a: {  	s1 =	srdreg.scid  }
0x8b: {  	s0 =	sand.u32 $0x1, s1  }
0x8c: {  	s18 =	sshll.u32 s0, $0xA;
	s2 =	sadd.s32 s3, s2  }
0x8d: {  	s2 =	sadd.s32 s2, s18  }
0x8e: {  	[smem:$0x3FC6] =	sst s2  }
0x8f: {  	_ = 	snop  }
0x90: {  	s2 =	sld [smem:$0x3FC9]  }
0x91: {  	s19 =	sld [smem:$0x3FC8]  }
0x92: {  	s4 =	sld [smem:$0x3FD0];
	(tm) =	ssettm $0x1  }
0x93: {  	s5 =	sld [smem:$0x3FFB];
	_ =	sdelay $0x3  }
0x94: {  	_ =	strace s5  }
0x95: {  	s5 =	sld [smem:$0x3FFC];
	_ =	sdelay $0x3  }
0x96: {  	_ =	strace s5  }
0x97: {  	s5 =	sld [smem:$0x3FFD];
	_ =	sdelay $0x3  }
0x98: {  	_ =	strace s5  }
0x99: {  	_ =	strace $0x8FFFFFFF  }
0x9a: {  	s20 =	sld [smem:$0x3FDB];
	_ =	sdelay $0x1  }
0x9b: {  	s6 =	simm.s32 $_scs_section_size  }
0x9c: {  	s7 =	simm.s32 $_size__tile_overlayer_lowered;
	s8 =	simm.s32 $_tile_overlayer_lowered  }
0x9d: {  	s23 =	simm.s32 $0x1BFF;
	s22 =	sshll.u32 s8, $0x1;
	s5 =	sadd.s32 s6, s20  }
0x9e: {  	s9 =	simm.s32 $0x0;
	s21 =	sshll.u32 s7, $0x1;
	s7 =	sadd.s32 s22, s5  }
0x9f: {  	[timem:s9], [sflag:s23] =	dma.local [hbm:s7], s21  }
0xa0: {  	_ =	swait.ge [sflag:s23], s21  }
0xa1: {  	s6 =	ssub.s32 $0x0, s21;
	[sflag:s23] =	ssyncset.done $0x0  }
0xa2: {  	[sflag:s23] =	ssyncadd.s32 s6;
	_ =	sdelay $0x1  }
0xa3: {  	s24 =	simm.s32 $0x1B8B  }
0xa4: {  	_ =	swait.ge [sflag:s24], $0x1  }
0xa5: {  	[sflag:s24] =	ssyncset.done $0x0  }
0xa6: {  	s25 =	simm.s32 $0x1B8E;
	[sflag:s24] =	ssyncadd.s32 $0xFFFFFFFF  }
0xa7: {  	s26 =	simm.s32 $execute0_lowered;
	[smem:$0x3FD2] =	sst s25  }
0xa8: {  	s6 =	sshll.u32 s26, $0x1;
	_ =	strace $0x80000046;
	[dreg:$0x1] =	wrdreg $0xFFFFFFFF  }
0xa9: {  	s28 =	simm.s32 $_size_execute0_lowered;
	s5 =	sadd.s32 s5, s6;
	[dreg:$0x0] =	wrdreg $0x0  }
0xaa: {  	s6 =	sshll.u32 s28, $0x1;
	[dreg:$0x2] =	wrdreg s5  }
0xab: {  	[dreg:$0x3] =	wrdreg s6  }
0xac: {  	[dreg:$0x4] =	wrdreg $0xC0  }
0xad: {  	_ =	task [dreg:s9], $0x5FFFF  }
0xae: {  	[dreg:$0x1] =	wrdreg $0xFFFFFFFF  }
0xaf: {  	[dreg:$0x0] =	wrdreg $0x60  }
0xb0: {  	[dreg:$0x2] =	wrdreg s2  }
0xb1: {  	[dreg:$0x3] =	wrdreg s19  }
0xb2: {  	[dreg:$0x4] =	wrdreg s4  }
0xb3: {  	[dreg:$0x5] =	wrdreg $0x102000  }
0xb4: {  	[dreg:$0x6] =	wrdreg $0x9  }
0xb5: {  	_ =	task.clear_ibuf [dreg:s9], $0x7FFFF;
	_ =	strace $0x90000046  }
0xb6: {  	s29 =	simm.s32 $0x9;
	_ =	strace $0x80000048  }
0xb7: {  	_ =	swait.ge [sflag:s29], $0x1  }
0xb8: {  	[sflag:s29] =	ssyncadd.s32 $0xFFFFFFFF  }
0xb9: {  	_ =	strace $0x90000048  }
0xba: {  	_ =	sfence  }
0xbb: {  	s30 =	sld [smem:$0x0];
	_ =	sdelay $0x2  }
0xbc: {  	s31 =	sshll.u32 s1, $0xD;
	s1 =	sshrl.u32 s1, $0x2  }
0xbd: {  	s3 =	sand.u32 $0x4000, s31;
	s1 =	sadd.s32 s1, s30  }
0xbe: {  	s0 =	sor.u32 s3, s0;
	s1 =	sshll.u32 s1, $0x11  }
0xbf: {  	s0 =	sor.u32 s1, s0  }
0xc0: {  	s0 =	sadd.s32 $0x8F2B, s0  }
0xc1: {  	[sflag:s0] =	ssyncadd.remote.s32 $0x1  }
0xc2: {  	_ =	sfence.sel $0xFFFF  }
0xc3: {  	[dreg:$0x0] =	wrdreg $0xFFFFFFFF;
	(pc) =	sbr.abs _section_cstart, $3  }
0xc4: {  	[dreg:$0x1] =	wrdreg $0xFFFFFFFF  }
0xc5: {  	_ =	task.clear_ibuf [dreg:s9], $0x2FFFF;
	_ =	strace $0x9FFFFFFF  }
0xc6: {  	(tm) =	ssettm $0x7FFFFFFF  }
0xc7: {  	_ =	shalt  }
tec
execute0_lowered:
.L_overlay_start_1:
0x0: {  	(tag) =	ssettag $0x1  }
0x1: {  	s6 =	rddreg [dreg:$0x0]  }
0x2: {  	s1 =	rddreg [dreg:$0x1]  }
0x3: {  	s16 =	rddreg [dreg:$0x2]  }
0x4: {  	s3 =	rddreg [dreg:$0x3]  }
0x5: {  	s0 =	rddreg [dreg:$0x4];
	s4 =	simm.s32 $0x0;
	s5 =	srdreg.scid  }
0x6: {  	s2 =	stileid.u32;
	[smem:$0x7FF] =	sst s4;
	s21 =	sand.u32 $0x1, s5  }
0x7: {  	s31 =	sshll.u32 s2, $0x6;
	s8 =	sshll.u32 s2, $0x7;
	s7 =	sshll.u32 s21, $0x6  }
0x8: {  	_ =	strace $0x80000047;
	s5 =	sor.u32 $0x1C01, s31;
	s6 =	sadd.s32 s6, s7  }
0x9: {  	s7 =	sshrl.u32 s3, $0x3;
	s6 =	sadd.s32 s8, s6;
	s8 =	simm.s32 $0x1  }
0xa: {  	[spmem:s7], [sflag:s5] =	dma.local [hbm:s1], $0x60  }
0xb: {  	[tilespmem:s4], [sflag:$0x1] =	stream.linear.gather [hbm4b:s6+s4], $0x200, $0x38;
	[tilespmem:$0x10230] =	vst v63  }
0xc: {  	_ =	swait.ge [sflag:s8], $0x60  }
0xd: {  	[sflag:s8] =	ssyncset.done $0x0  }
0xe: {  	[sflag:s8] =	ssyncadd.s32 $0xFFFFFFA0  }
0xf: {  	_ =	swait.ge [sflag:s8], $0x200  }
0x10: {  	[sflag:s8] =	ssyncset.done $0x0  }
0x11: {  	s9 =	simm.s32 $0x80;
	s10 =	simm.s32 $0x200;
	[sflag:s8] =	ssyncadd.s32 $0xFFFFFE00  }
0x12: {  	[tilespmem:s10], [sflag:$0x1] =	stream.indirect.gather [spmem:s3], $0x80, s4, s9, $0xb8;
	[tilespmem:$0x10230] =	vst v63  }
0x13: {  	s11 =	simm.s32 $0x4200  }
0x14: {  	[tilespmem:s11], [sflag:$0x1] =	stream.indirect.gather [spmem:s3], $0x80, s9, s9, $0xb8;
	[tilespmem:$0x10230] =	vst v63  }
0x15: {  	s12 =	simm.s32 $0x100;
	s13 =	simm.s32 $0x8200  }
0x16: {  	[tilespmem:s13], [sflag:$0x1] =	stream.indirect.gather [spmem:s3], $0x80, s12, s9, $0xb8;
	[tilespmem:$0x10230] =	vst v63  }
0x17: {  	s14 =	simm.s32 $0x180;
	s15 =	simm.s32 $0xC200  }
0x18: {  	[tilespmem:s15], [sflag:$0x1] =	stream.indirect.gather [spmem:s3], $0x80, s14, s9, $0xb8;
	[tilespmem:$0x10230] =	vst v63  }
0x19: {  	s17 =	sshll.u32 s2, $0xE;
	s18 =	sshll.u32 s21, $0xD;
	_ =	swait.ge [sflag:s8], $0x4000  }
0x1a: {  	s17 =	sor.u32 s18, s17;
	[sflag:s8] =	ssyncset.done $0x0  }
0x1b: {  	s16 =	sadd.s32 s16, s17;
	[sflag:s8] =	ssyncadd.s32 $0xFFFFC000  }
0x1c: {  	[hbm4b:s16+s4] =	stream.linear.scatter [tilespmem:s10], [sflag:$0x2], $0x4000, $0x38;
	[tilespmem:$0x10230] =	vst v63  }
0x1d: {  	_ =	swait.ge [sflag:s8], $0x4000  }
0x1e: {  	[sflag:s8] =	ssyncset.done $0x0  }
0x1f: {  	s17 =	sadd.s32 $0x800, s16;
	[sflag:s8] =	ssyncadd.s32 $0xFFFFC000  }
0x20: {  	[hbm4b:s17+s4] =	stream.linear.scatter [tilespmem:s11], [sflag:$0x2], $0x4000, $0x38;
	[tilespmem:$0x10230] =	vst v63  }
0x21: {  	_ =	swait.ge [sflag:s8], $0x4000  }
0x22: {  	[sflag:s8] =	ssyncset.done $0x0  }
0x23: {  	s18 =	sadd.s32 $0x1000, s16;
	[sflag:s8] =	ssyncadd.s32 $0xFFFFC000  }
0x24: {  	[hbm4b:s18+s4] =	stream.linear.scatter [tilespmem:s13], [sflag:$0x2], $0x4000, $0x38;
	[tilespmem:$0x10230] =	vst v63  }
0x25: {  	_ =	swait.ge [sflag:s8], $0x4000  }
0x26: {  	[sflag:s8] =	ssyncset.done $0x0  }
0x27: {  	s19 =	simm.s32 $0x2;
	s20 =	sadd.s32 $0x1800, s16;
	[sflag:s8] =	ssyncadd.s32 $0xFFFFC000  }
0x28: {  	[hbm4b:s20+s4] =	stream.linear.scatter [tilespmem:s15], [sflag:$0x2], $0x4000, $0x38;
	[tilespmem:$0x10230] =	vst v63  }
0x29: {  	_ =	swait.ge [sflag:s19], $0x4000  }
0x2a: {  	s21 =	ssub.s32 $0x2, s21;
	[sflag:s19] =	ssyncset.done $0x0  }
0x2b: {  	s22 =	sshrl.u32 s21, $0x1;
	[sflag:s19] =	ssyncadd.s32 $0xFFFFC000  }
0x2c: {  	s21 =	ssub.s32 s21, s22;
	_ =	swait.ge [sflag:s19], $0x4000  }
0x2d: {  	s21 =	smax.u32 s21, $0x1;
	[sflag:s19] =	ssyncset.done $0x0  }
0x2e: {  	p0 =	sne.s32 s21, $0x1;
	[sflag:s19] =	ssyncadd.s32 $0xFFFFC000  }
.Ltmp0:
0x2f: {  	_ =	swait.ge [sflag:s19], $0x4000;
	(pc) =	sbr.rel @!p0 .LBB2_2-.Ltmp0, $4  }
0x30: {  	[sflag:s19] =	ssyncset.done $0x0  }
0x31: {  	[sflag:s19] =	ssyncadd.s32 $0xFFFFC000  }
0x32: {  	_ =	swait.ge [sflag:s19], $0x4000  }
0x33: {  	s21 =	sadd.s32 $0xFFFFFFFF, s21;
	[sflag:s19] =	ssyncset.done $0x0  }
.LBB2_1:
0x34: {  	p0 =	sne.s32 s21, $0x1;
	s21 =	sadd.s32 $0xFFFFFFFF, s21;
	[sflag:s19] =	ssyncadd.s32 $0xFFFFC000  }
0x35: {  	[spmem:s7], [sflag:s5] =	dma.local [hbm:s1], $0x60  }
0x36: {  	[tilespmem:s4], [sflag:$0x1] =	stream.linear.gather [hbm4b:s6+s4], $0x200, $0x38;
	[tilespmem:$0x10230] =	vst v63  }
0x37: {  	_ =	swait.ge [sflag:s8], $0x60  }
0x38: {  	[sflag:s8] =	ssyncset.done $0x0  }
0x39: {  	[sflag:s8] =	ssyncadd.s32 $0xFFFFFFA0  }
0x3a: {  	_ =	swait.ge [sflag:s8], $0x200  }
0x3b: {  	[sflag:s8] =	ssyncset.done $0x0  }
0x3c: {  	[sflag:s8] =	ssyncadd.s32 $0xFFFFFE00  }
0x3d: {  	[tilespmem:s10], [sflag:$0x1] =	stream.indirect.gather [spmem:s3], $0x80, s4, s9, $0xb8;
	[tilespmem:$0x10230] =	vst v63  }
0x3e: {  	_ = 	snop  }
0x3f: {  	[tilespmem:s11], [sflag:$0x1] =	stream.indirect.gather [spmem:s3], $0x80, s9, s9, $0xb8;
	[tilespmem:$0x10230] =	vst v63  }
0x40: {  	_ = 	snop  }
0x41: {  	[tilespmem:s13], [sflag:$0x1] =	stream.indirect.gather [spmem:s3], $0x80, s12, s9, $0xb8;
	[tilespmem:$0x10230] =	vst v63  }
0x42: {  	_ = 	snop  }
0x43: {  	[tilespmem:s15], [sflag:$0x1] =	stream.indirect.gather [spmem:s3], $0x80, s14, s9, $0xb8;
	[tilespmem:$0x10230] =	vst v63  }
0x44: {  	_ =	swait.ge [sflag:s8], $0x4000  }
0x45: {  	[sflag:s8] =	ssyncset.done $0x0  }
0x46: {  	[sflag:s8] =	ssyncadd.s32 $0xFFFFC000  }
0x47: {  	[hbm4b:s16+s4] =	stream.linear.scatter [tilespmem:s10], [sflag:$0x2], $0x4000, $0x38;
	[tilespmem:$0x10230] =	vst v63  }
0x48: {  	_ =	swait.ge [sflag:s8], $0x4000  }
0x49: {  	[sflag:s8] =	ssyncset.done $0x0  }
0x4a: {  	[sflag:s8] =	ssyncadd.s32 $0xFFFFC000  }
0x4b: {  	[hbm4b:s17+s4] =	stream.linear.scatter [tilespmem:s11], [sflag:$0x2], $0x4000, $0x38;
	[tilespmem:$0x10230] =	vst v63  }
0x4c: {  	_ =	swait.ge [sflag:s8], $0x4000  }
0x4d: {  	[sflag:s8] =	ssyncset.done $0x0  }
0x4e: {  	[sflag:s8] =	ssyncadd.s32 $0xFFFFC000  }
0x4f: {  	[hbm4b:s18+s4] =	stream.linear.scatter [tilespmem:s13], [sflag:$0x2], $0x4000, $0x38;
	[tilespmem:$0x10230] =	vst v63  }
0x50: {  	_ =	swait.ge [sflag:s8], $0x4000  }
0x51: {  	[sflag:s8] =	ssyncset.done $0x0  }
0x52: {  	[sflag:s8] =	ssyncadd.s32 $0xFFFFC000  }
0x53: {  	[hbm4b:s20+s4] =	stream.linear.scatter [tilespmem:s15], [sflag:$0x2], $0x4000, $0x38;
	[tilespmem:$0x10230] =	vst v63  }
0x54: {  	_ =	swait.ge [sflag:s19], $0x4000  }
0x55: {  	[sflag:s19] =	ssyncset.done $0x0  }
0x56: {  	[sflag:s19] =	ssyncadd.s32 $0xFFFFC000  }
0x57: {  	_ =	swait.ge [sflag:s19], $0x4000  }
0x58: {  	[sflag:s19] =	ssyncset.done $0x0  }
0x59: {  	[sflag:s19] =	ssyncadd.s32 $0xFFFFC000  }
.Ltmp1:
0x5a: {  	_ =	swait.ge [sflag:s19], $0x4000;
	(pc) =	sbr.rel @p0 .LBB2_1-.Ltmp1, $4  }
0x5b: {  	[sflag:s19] =	ssyncset.done $0x0  }
0x5c: {  	[sflag:s19] =	ssyncadd.s32 $0xFFFFC000  }
0x5d: {  	_ =	swait.ge [sflag:s19], $0x4000  }
0x5e: {  	[sflag:s19] =	ssyncset.done $0x0  }
.LBB2_2:
0x5f: {  	[sflag:s19] =	ssyncadd.s32 $0xFFFFC000  }
0x60: {  	_ =	sfence.sel $0x180000  }
0x61: {  	[bflag:$0x0] =	sbarrier.arrive $0xFFFF  }
0x62: {  	p0 =	sne.s32 s2, $0x0;
	_ =	strace $0x90000047  }
0x63: {  	s0 =	sadd.s32 @!p0 $0x100000, s0;
	[bflag:$0x2] =	sbarrier.arrive $0xFFFF  }
0x64: {  	[sflag:s0] =	ssyncadd.tile.s32 @!p0 $0x1;
	_ =	shalt  }
.Lfunc_end2:
_tile_overlayer_lowered:
.L_overlay_start_2:
0x65: {  	(tag) =	ssettag $0x2  }
0x66: {  	s0 =	rddreg [dreg:$0x0];
	s2 =	stileid.u32  }
0x67: {  	s1 =	rddreg [dreg:$0x1];
	p0 =	sne.s32 s2, $0x0  }
0x68: {  	s3 =	rddreg [dreg:$0x2];
	[bflag:$0x3] =	sbarrier.arrive $0xFFFF;
	s2 =	simm.s32 @!p0 $0x1C03  }
0x69: {  	[timem:s3], [sflag:s2] =	dma.local @!p0 [hbm:s0], s1  }
0x6a: {  	s0 =	simm.s32 @!p0 $0x3  }
0x6b: {  	_ =	swait.ge @!p0 [sflag:s0], s1  }
0x6c: {  	s1 =	ssub.s32 @!p0 $0x0, s1;
	[sflag:s0] =	ssyncset.done @!p0 $0x0  }
0x6d: {  	[sflag:s0] =	ssyncadd.s32 @!p0 s1  }
0x6e: {  	[bflag:$0x3] =	sbarrier.arrive $0xFFFF  }
0x6f: {  	_ =	shalt  }

</sc_bundles>
